<compile_context>
chip_gen: v7x
topology: tpu7x:2x2x1
jax: 0.10.2.dev20260603
libtpu: 0.0.44.dev20260713+nightly
codegen_flags: <defaults>
</compile_context>

<pallas_src>
import functools

import jax
import jax.numpy as jnp
import numpy as np
from jax import lax
from jax.experimental import pallas as pl
from jax.experimental.pallas import tpu as pltpu
from jax.experimental.pallas import tpu_sc as plsc

VOCAB = 1000000
EMBED = 128
NUM_DENSE = 13
NUM_SPARSE = 26

NC = 2
NS = 16
NW = NC * NS



def _sc_gather(table, idx):
    n = idx.shape[0]
    per_w = n // NW
    assert per_w % 128 == 0
    n_streams = per_w // 128
    group = 4
    rows_per_group = group * 128
    n_groups = n_streams // group
    assert n_groups * group == n_streams

    mesh = plsc.VectorSubcoreMesh(core_axis_name="c", subcore_axis_name="s")

    @functools.partial(
        pl.kernel,
        out_type=jax.ShapeDtypeStruct((n, EMBED), jnp.float32),
        mesh=mesh,
        scratch_types=[
            pltpu.VMEM((per_w,), jnp.int32),
            pltpu.VMEM((rows_per_group, EMBED), jnp.float32),
            pltpu.SemaphoreType.DMA,
        ],
    )
    def gather_kernel(table_hbm, idx_hbm, out_hbm, idx_v, rows_v, sem):
        wid = lax.axis_index("s") * NC + lax.axis_index("c")
        base = wid * per_w
        pltpu.sync_copy(idx_hbm.at[pl.ds(base, per_w)], idx_v)

        def gbody(g, carry):
            start = g * rows_per_group
            copies = []
            for j in range(group):
                copies.append(
                    pltpu.async_copy(
                        table_hbm.at[idx_v.at[pl.ds(start + j * 128, 128)]],
                        rows_v.at[pl.ds(j * 128, 128)],
                        sem,
                    )
                )
            for c in copies:
                c.wait()
            pltpu.sync_copy(rows_v, out_hbm.at[pl.ds(base + start, rows_per_group)])
            return carry

        lax.fori_loop(0, n_groups, gbody, 0)

    return gather_kernel(table, idx)




def _tc_forward(dense, gath, bW0, bb0, bW1, bb1, bW2, bb2,
                tW0h, tW0s, tb0, tW1, tb1, tW2, tb2, tW3, tb3, tW4, tb4):
    B = dense.shape[0]
    BB = 512
    grid = B // BB

    def body(dense_r, gath_r, bW0_r, bb0_r, bW1_r, bb1_r, bW2_r, bb2_r,
             tW0h_r, tW0s_r, tb0_r, tW1_r, tb1_r, tW2_r, tb2_r, tW3_r,
             tb3_r, tW4_r, tb4_r, out_r):
        d = dense_r[...]
        h = jnp.maximum(jnp.dot(d, bW0_r[...], preferred_element_type=jnp.float32) + bb0_r[...], 0.0)
        h = jnp.maximum(jnp.dot(h, bW1_r[...], preferred_element_type=jnp.float32) + bb1_r[...], 0.0)
        h = jnp.maximum(jnp.dot(h, bW2_r[...], preferred_element_type=jnp.float32) + bb2_r[...], 0.0)
        g = gath_r[...]
        c = jnp.concatenate([h[:, None, :], g], axis=1)
        inter = lax.dot_general(c, c, (((2,), (2,)), ((0,), (0,))),
                                preferred_element_type=jnp.float32)
        iflat = inter.reshape(BB, 27 * 27)
        z = (jnp.dot(h, tW0h_r[...], preferred_element_type=jnp.float32)
             + jnp.dot(iflat, tW0s_r[...], preferred_element_type=jnp.float32)
             + tb0_r[...])
        z = jnp.maximum(z, 0.0)
        z = jnp.maximum(jnp.dot(z, tW1_r[...], preferred_element_type=jnp.float32) + tb1_r[...], 0.0)
        z = jnp.maximum(jnp.dot(z, tW2_r[...], preferred_element_type=jnp.float32) + tb2_r[...], 0.0)
        z = jnp.maximum(jnp.dot(z, tW3_r[...], preferred_element_type=jnp.float32) + tb3_r[...], 0.0)
        out_r[...] = jnp.dot(z, tW4_r[...], preferred_element_type=jnp.float32) + tb4_r[...]

    def full(w):
        return pl.BlockSpec(w.shape, lambda i: (0,) * w.ndim)

    return pl.pallas_call(
        body,
        grid=(grid,),
        in_specs=[
            pl.BlockSpec((BB, NUM_DENSE), lambda i: (i, 0)),
            pl.BlockSpec((BB, NUM_SPARSE, EMBED), lambda i: (i, 0, 0)),
            full(bW0), full(bb0), full(bW1), full(bb1), full(bW2), full(bb2),
            full(tW0h), full(tW0s), full(tb0), full(tW1), full(tb1),
            full(tW2), full(tb2), full(tW3), full(tb3), full(tW4), full(tb4),
        ],
        out_specs=pl.BlockSpec((BB, 1), lambda i: (i, 0)),
        out_shape=jax.ShapeDtypeStruct((B, 1), jnp.float32),
    )(dense, gath, bW0, bb0, bW1, bb1, bW2, bb2,
      tW0h, tW0s, tb0, tW1, tb1, tW2, tb2, tW3, tb3, tW4, tb4)


_IU = np.triu_indices(NUM_SPARSE + 1)
_SCATTER_ROWS = np.asarray(_IU[0] * (NUM_SPARSE + 1) + _IU[1], dtype=np.int32)


def kernel(x, emb, bW0, bb0, bW1, bb1, bW2, bb2,
           tW0, tb0, tW1, tb1, tW2, tb2, tW3, tb3, tW4, tb4):
    B = x.shape[0]
    dense = x[:, :NUM_DENSE]
    idx = x[:, NUM_DENSE:].astype(jnp.int32).reshape(-1) % VOCAB

    gath = _sc_gather(emb, idx).reshape(B, NUM_SPARSE, EMBED)

    tW0h = tW0[:EMBED]
    tW0s = jnp.zeros((729, tW0.shape[1]), jnp.float32).at[_SCATTER_ROWS].set(tW0[EMBED:])

    return _tc_forward(dense, gath, bW0, bb0, bW1, bb1, bW2, bb2,
                       tW0h, tW0s, tb0, tW1, tb1, tW2, tb2, tW3, tb3, tW4, tb4)

# --- scband reference (transcript-rebuilt; emitter-appended) ---
"""Pipeline reference for scband-dlrm-small-48876727828684 (READ-ONLY COPY).

The authoritative reference and input builder live on the scoring server;
editing this copy changes nothing except your own understanding.
"""

import jax, jax.numpy as jnp
import numpy as np

VOCAB = 1000000
EMBED = 128
BATCH = 16384
NUM_DENSE = 13
NUM_SPARSE = 26
BOT = (512, 256, 128)
TOP = (1024, 1024, 512, 256, 1)


def setup_inputs(seed=0) -> dict:
    key = jax.random.key(seed)
    ks = jax.random.split(key, 24)
    dense = jax.random.normal(ks[0], (BATCH, NUM_DENSE), dtype=jnp.float32)
    sparse = jax.random.randint(ks[1], (BATCH, NUM_SPARSE), 0, VOCAB).astype(jnp.float32)
    x = jnp.concatenate([dense, sparse], axis=1)
    scale = 1.0 / np.sqrt(VOCAB)
    emb = jax.random.uniform(ks[2], (VOCAB, EMBED), dtype=jnp.float32) * scale
    out = {"x": x, "emb": emb}
    ki = 3
    fan_in = NUM_DENSE
    for i, d in enumerate(BOT):
        limit = float(np.sqrt(6.0 / (fan_in + d)))
        out[f"bW{i}"] = jax.random.uniform(ks[ki], (fan_in, d), minval=-limit, maxval=limit, dtype=jnp.float32); ki += 1
        out[f"bb{i}"] = jax.random.normal(ks[ki], (d,), dtype=jnp.float32) * float(np.sqrt(1.0 / d)); ki += 1
        fan_in = d
    fan_in = 506
    for i, d in enumerate(TOP):
        out[f"tW{i}"] = jax.random.normal(ks[ki], (fan_in, d), dtype=jnp.float32) * float(np.sqrt(2.0 / (fan_in + d))); ki += 1
        out[f"tb{i}"] = jax.random.normal(ks[ki], (d,), dtype=jnp.float32) * float(np.sqrt(1.0 / d)); ki += 1
        fan_in = d
    return out


def _forward(x, emb, bW0, bb0, bW1, bb1, bW2, bb2, tW0, tb0, tW1, tb1, tW2, tb2, tW3, tb3, tW4, tb4):
    batch = x.shape[0]
    dense = x[:, :NUM_DENSE]
    sparse = jax.lax.stop_gradient(x[:, NUM_DENSE:]).astype(jnp.int32)
    # bottom MLP
    h = jax.nn.relu(dense @ bW0 + bb0)
    h = jax.nn.relu(h @ bW1 + bb1)
    h = jax.nn.relu(h @ bW2 + bb2)
    # embedding lookup
    idx = jnp.reshape(sparse, (-1,)) % VOCAB
    embedded_sparse = jnp.take(emb, idx, axis=0).reshape(batch, NUM_SPARSE, EMBED)
    # dot interaction
    combined = jnp.concatenate([h[:, None, :], embedded_sparse], axis=1)  # [B, 27, 128]
    interactions = jnp.einsum('bnd,bmd->bnm', combined, combined)
    iu = jnp.triu_indices(NUM_SPARSE + 1)
    interactions_flat = interactions[:, iu[0], iu[1]]  # [B, 378]
    z = jnp.concatenate([h, interactions_flat], axis=1)  # [B, 506]
    # top MLP
    z = jax.nn.relu(z @ tW0 + tb0)
    z = jax.nn.relu(z @ tW1 + tb1)
    z = jax.nn.relu(z @ tW2 + tb2)
    z = jax.nn.relu(z @ tW3 + tb3)
    logits = z @ tW4 + tb4
    return logits


def reference(x, emb, bW0, bb0, bW1, bb1, bW2, bb2,
              tW0, tb0, tW1, tb1, tW2, tb2, tW3, tb3, tW4, tb4):
    return _forward(x, emb, bW0, bb0, bW1, bb1, bW2, bb2,
                    tW0, tb0, tW1, tb1, tW2, tb2, tW3, tb3, tW4, tb4)

if __name__ == "__main__":
    import jax
    _d = setup_inputs()
    print(jax.jit(kernel)(*tuple(_d.values())))

</pallas_src>

<mosaic_0001>
#map = affine_map<(d0, d1) -> (0, 0)>
#map1 = affine_map<(d0, d1) -> (0)>
module attributes {stable_mosaic.version = 14 : i64} {
  func.func @gather_kernel(%arg0: i32, %arg1: i32, %arg2: memref<1000000x128xf32, #tpu.memory_space<hbm>>, %arg3: memref<425984xi32, #tpu.memory_space<hbm>>, %arg4: memref<425984x128xf32, #tpu.memory_space<hbm>>, %arg5: memref<13312xi32, #tpu.memory_space<vmem>>, %arg6: memref<512x128xf32, #tpu.memory_space<vmem>>, %arg7: memref<!tpu.dma_semaphore, #tpu.memory_space<semaphore_mem>>) attributes {dimension_semantics = [#tpu.dimension_semantics<core_parallel>, #tpu.dimension_semantics<subcore_parallel>], iteration_bounds = array<i64: 2, 16>, scalar_prefetch = 0 : i64, scratch_operands = 3 : i64, tpu.core_type = #tpu.core_type<sc_vector_subcore>, window_params = [{transform_indices = #map}, {transform_indices = #map1}, {transform_indices = #map}]} {
    %mul3A = arith.constant 2 : i32
    %mul3A_0 = arith.muli %arg1, %mul3A : i32
    %add3A = arith.addi %mul3A_0, %arg0 : i32
    %mul3A_1 = arith.constant 13312 : i32
    %mul3A_2 = arith.muli %add3A, %mul3A_1 : i32
    "tpu.region"() ({
      %run_scoped3A = tpu.sem_alloc : memref<!tpu.dma_semaphore, #tpu.memory_space<semaphore_mem>>
      %dma_start3A = tpu.memref_slice %arg3[%mul3A_2] : memref<425984xi32, #tpu.memory_space<hbm>> -> memref<13312xi32, #tpu.memory_space<hbm>>
      %dma_start3A_8 = tpu.memref_slice %arg3[%mul3A_2] : memref<425984xi32, #tpu.memory_space<hbm>> -> memref<13312xi32, #tpu.memory_space<hbm>>
      tpu.enqueue_dma source(%dma_start3A_8 : memref<13312xi32, #tpu.memory_space<hbm>>) target(%arg5 : memref<13312xi32, #tpu.memory_space<vmem>>) target_semaphore(%run_scoped3A : memref<!tpu.dma_semaphore, #tpu.memory_space<semaphore_mem>>)
      %dma_wait3A = tpu.memref_slice %arg3[%mul3A_2] : memref<425984xi32, #tpu.memory_space<hbm>> -> memref<13312xi32, #tpu.memory_space<hbm>>
      %dma_wait3A_9 = tpu.memref_slice %arg3[%mul3A_2] : memref<425984xi32, #tpu.memory_space<hbm>> -> memref<13312xi32, #tpu.memory_space<hbm>>
      tpu.wait_dma2 semaphore(%run_scoped3A : memref<!tpu.dma_semaphore, #tpu.memory_space<semaphore_mem>>) src(%dma_wait3A_9 : memref<13312xi32, #tpu.memory_space<hbm>>) dst(%arg5 : memref<13312xi32, #tpu.memory_space<vmem>>)
      tpu.yield
    }) : () -> ()
    %scan3A = arith.constant 0 : i32
    %scan3A_3 = arith.constant 0 : i32
    %scan3A_4 = arith.constant 26 : i32
    %scan3A_5 = arith.addi %scan3A_3, %scan3A_4 : i32
    %scan3A_6 = arith.constant 1 : i32
    scf.for %scan3A_8 = %scan3A_3 to %scan3A_5 step %scan3A_6  : i32 {
      %mul3A_9 = arith.constant 512 : i32
      %mul3A_10 = arith.muli %scan3A_8, %mul3A_9 : i32
      %add3A_11 = arith.constant 0 : i32
      %add3A_12 = arith.addi %mul3A_10, %add3A_11 : i32
      %dma_start3A = arith.constant 0 : i32
      %dma_start3A_13 = arith.constant 0 : i32
      %dma_start3A_14 = tpu.memref_slice %arg6[%dma_start3A, %dma_start3A_13] : memref<512x128xf32, #tpu.memory_space<vmem>> -> memref<128x128xf32, #tpu.memory_space<vmem>>
      %dma_start3A_15 = tpu.memref_slice %arg5[%add3A_12] : memref<13312xi32, #tpu.memory_space<vmem>> -> memref<128xi32, #tpu.memory_space<vmem>>
      %dma_start3A_16 = arith.constant 0 : i32
      %dma_start3A_17 = arith.constant 0 : i32
      %dma_start3A_18 = tpu.memref_slice %arg2[%dma_start3A_16, %dma_start3A_17] : memref<1000000x128xf32, #tpu.memory_space<hbm>> -> memref<1000000x128xf32, #tpu.memory_space<hbm>>
      tpu.enqueue_indirect_dma source(%dma_start3A_18 : memref<1000000x128xf32, #tpu.memory_space<hbm>>) target(%dma_start3A_14 : memref<128x128xf32, #tpu.memory_space<vmem>>) offsets(%dma_start3A_15 : memref<128xi32, #tpu.memory_space<vmem>>) semaphore(%arg7 : memref<!tpu.dma_semaphore, #tpu.memory_space<semaphore_mem>>)
      %add3A_19 = arith.constant 128 : i32
      %add3A_20 = arith.addi %mul3A_10, %add3A_19 : i32
      %dma_start3A_21 = arith.constant 128 : i32
      %dma_start3A_22 = arith.constant 0 : i32
      %dma_start3A_23 = tpu.memref_slice %arg6[%dma_start3A_21, %dma_start3A_22] : memref<512x128xf32, #tpu.memory_space<vmem>> -> memref<128x128xf32, #tpu.memory_space<vmem>>
      %dma_start3A_24 = tpu.memref_slice %arg5[%add3A_20] : memref<13312xi32, #tpu.memory_space<vmem>> -> memref<128xi32, #tpu.memory_space<vmem>>
      %dma_start3A_25 = arith.constant 0 : i32
      %dma_start3A_26 = arith.constant 0 : i32
      %dma_start3A_27 = tpu.memref_slice %arg2[%dma_start3A_25, %dma_start3A_26] : memref<1000000x128xf32, #tpu.memory_space<hbm>> -> memref<1000000x128xf32, #tpu.memory_space<hbm>>
      tpu.enqueue_indirect_dma source(%dma_start3A_27 : memref<1000000x128xf32, #tpu.memory_space<hbm>>) target(%dma_start3A_23 : memref<128x128xf32, #tpu.memory_space<vmem>>) offsets(%dma_start3A_24 : memref<128xi32, #tpu.memory_space<vmem>>) semaphore(%arg7 : memref<!tpu.dma_semaphore, #tpu.memory_space<semaphore_mem>>)
      %add3A_28 = arith.constant 256 : i32
      %add3A_29 = arith.addi %mul3A_10, %add3A_28 : i32
      %dma_start3A_30 = arith.constant 256 : i32
      %dma_start3A_31 = arith.constant 0 : i32
      %dma_start3A_32 = tpu.memref_slice %arg6[%dma_start3A_30, %dma_start3A_31] : memref<512x128xf32, #tpu.memory_space<vmem>> -> memref<128x128xf32, #tpu.memory_space<vmem>>
      %dma_start3A_33 = tpu.memref_slice %arg5[%add3A_29] : memref<13312xi32, #tpu.memory_space<vmem>> -> memref<128xi32, #tpu.memory_space<vmem>>
      %dma_start3A_34 = arith.constant 0 : i32
      %dma_start3A_35 = arith.constant 0 : i32
      %dma_start3A_36 = tpu.memref_slice %arg2[%dma_start3A_34, %dma_start3A_35] : memref<1000000x128xf32, #tpu.memory_space<hbm>> -> memref<1000000x128xf32, #tpu.memory_space<hbm>>
      tpu.enqueue_indirect_dma source(%dma_start3A_36 : memref<1000000x128xf32, #tpu.memory_space<hbm>>) target(%dma_start3A_32 : memref<128x128xf32, #tpu.memory_space<vmem>>) offsets(%dma_start3A_33 : memref<128xi32, #tpu.memory_space<vmem>>) semaphore(%arg7 : memref<!tpu.dma_semaphore, #tpu.memory_space<semaphore_mem>>)
      %add3A_37 = arith.constant 384 : i32
      %add3A_38 = arith.addi %mul3A_10, %add3A_37 : i32
      %dma_start3A_39 = arith.constant 384 : i32
      %dma_start3A_40 = arith.constant 0 : i32
      %dma_start3A_41 = tpu.memref_slice %arg6[%dma_start3A_39, %dma_start3A_40] : memref<512x128xf32, #tpu.memory_space<vmem>> -> memref<128x128xf32, #tpu.memory_space<vmem>>
      %dma_start3A_42 = tpu.memref_slice %arg5[%add3A_38] : memref<13312xi32, #tpu.memory_space<vmem>> -> memref<128xi32, #tpu.memory_space<vmem>>
      %dma_start3A_43 = arith.constant 0 : i32
      %dma_start3A_44 = arith.constant 0 : i32
      %dma_start3A_45 = tpu.memref_slice %arg2[%dma_start3A_43, %dma_start3A_44] : memref<1000000x128xf32, #tpu.memory_space<hbm>> -> memref<1000000x128xf32, #tpu.memory_space<hbm>>
      tpu.enqueue_indirect_dma source(%dma_start3A_45 : memref<1000000x128xf32, #tpu.memory_space<hbm>>) target(%dma_start3A_41 : memref<128x128xf32, #tpu.memory_space<vmem>>) offsets(%dma_start3A_42 : memref<128xi32, #tpu.memory_space<vmem>>) semaphore(%arg7 : memref<!tpu.dma_semaphore, #tpu.memory_space<semaphore_mem>>)
      %dma_wait3A = arith.constant 0 : i32
      %dma_wait3A_46 = arith.constant 0 : i32
      %dma_wait3A_47 = tpu.memref_slice %arg6[%dma_wait3A, %dma_wait3A_46] : memref<512x128xf32, #tpu.memory_space<vmem>> -> memref<128x128xf32, #tpu.memory_space<vmem>>
      %dma_wait3A_48 = tpu.memref_slice %arg5[%add3A_12] : memref<13312xi32, #tpu.memory_space<vmem>> -> memref<128xi32, #tpu.memory_space<vmem>>
      %dma_wait3A_49 = arith.constant 0 : i32
      %dma_wait3A_50 = arith.constant 0 : i32
      %dma_wait3A_51 = tpu.memref_slice %arg2[%dma_wait3A_49, %dma_wait3A_50] : memref<1000000x128xf32, #tpu.memory_space<hbm>> -> memref<1000000x128xf32, #tpu.memory_space<hbm>>
      tpu.wait_indirect_dma semaphore(%arg7 : memref<!tpu.dma_semaphore, #tpu.memory_space<semaphore_mem>>) src(%dma_wait3A_51 : memref<1000000x128xf32, #tpu.memory_space<hbm>>) dst(%dma_wait3A_47 : memref<128x128xf32, #tpu.memory_space<vmem>>)
      %dma_wait3A_52 = arith.constant 128 : i32
      %dma_wait3A_53 = arith.constant 0 : i32
      %dma_wait3A_54 = tpu.memref_slice %arg6[%dma_wait3A_52, %dma_wait3A_53] : memref<512x128xf32, #tpu.memory_space<vmem>> -> memref<128x128xf32, #tpu.memory_space<vmem>>
      %dma_wait3A_55 = tpu.memref_slice %arg5[%add3A_20] : memref<13312xi32, #tpu.memory_space<vmem>> -> memref<128xi32, #tpu.memory_space<vmem>>
      %dma_wait3A_56 = arith.constant 0 : i32
      %dma_wait3A_57 = arith.constant 0 : i32
      %dma_wait3A_58 = tpu.memref_slice %arg2[%dma_wait3A_56, %dma_wait3A_57] : memref<1000000x128xf32, #tpu.memory_space<hbm>> -> memref<1000000x128xf32, #tpu.memory_space<hbm>>
      tpu.wait_indirect_dma semaphore(%arg7 : memref<!tpu.dma_semaphore, #tpu.memory_space<semaphore_mem>>) src(%dma_wait3A_58 : memref<1000000x128xf32, #tpu.memory_space<hbm>>) dst(%dma_wait3A_54 : memref<128x128xf32, #tpu.memory_space<vmem>>)
      %dma_wait3A_59 = arith.constant 256 : i32
      %dma_wait3A_60 = arith.constant 0 : i32
      %dma_wait3A_61 = tpu.memref_slice %arg6[%dma_wait3A_59, %dma_wait3A_60] : memref<512x128xf32, #tpu.memory_space<vmem>> -> memref<128x128xf32, #tpu.memory_space<vmem>>
      %dma_wait3A_62 = tpu.memref_slice %arg5[%add3A_29] : memref<13312xi32, #tpu.memory_space<vmem>> -> memref<128xi32, #tpu.memory_space<vmem>>
      %dma_wait3A_63 = arith.constant 0 : i32
      %dma_wait3A_64 = arith.constant 0 : i32
      %dma_wait3A_65 = tpu.memref_slice %arg2[%dma_wait3A_63, %dma_wait3A_64] : memref<1000000x128xf32, #tpu.memory_space<hbm>> -> memref<1000000x128xf32, #tpu.memory_space<hbm>>
      tpu.wait_indirect_dma semaphore(%arg7 : memref<!tpu.dma_semaphore, #tpu.memory_space<semaphore_mem>>) src(%dma_wait3A_65 : memref<1000000x128xf32, #tpu.memory_space<hbm>>) dst(%dma_wait3A_61 : memref<128x128xf32, #tpu.memory_space<vmem>>)
      %dma_wait3A_66 = arith.constant 384 : i32
      %dma_wait3A_67 = arith.constant 0 : i32
      %dma_wait3A_68 = tpu.memref_slice %arg6[%dma_wait3A_66, %dma_wait3A_67] : memref<512x128xf32, #tpu.memory_space<vmem>> -> memref<128x128xf32, #tpu.memory_space<vmem>>
      %dma_wait3A_69 = tpu.memref_slice %arg5[%add3A_38] : memref<13312xi32, #tpu.memory_space<vmem>> -> memref<128xi32, #tpu.memory_space<vmem>>
      %dma_wait3A_70 = arith.constant 0 : i32
      %dma_wait3A_71 = arith.constant 0 : i32
      %dma_wait3A_72 = tpu.memref_slice %arg2[%dma_wait3A_70, %dma_wait3A_71] : memref<1000000x128xf32, #tpu.memory_space<hbm>> -> memref<1000000x128xf32, #tpu.memory_space<hbm>>
      tpu.wait_indirect_dma semaphore(%arg7 : memref<!tpu.dma_semaphore, #tpu.memory_space<semaphore_mem>>) src(%dma_wait3A_72 : memref<1000000x128xf32, #tpu.memory_space<hbm>>) dst(%dma_wait3A_68 : memref<128x128xf32, #tpu.memory_space<vmem>>)
      %add3A_73 = arith.addi %mul3A_2, %mul3A_10 : i32
      "tpu.region"() ({
        %run_scoped3A = tpu.sem_alloc : memref<!tpu.dma_semaphore, #tpu.memory_space<semaphore_mem>>
        %dma_start3A_74 = arith.constant 0 : i32
        %dma_start3A_75 = tpu.memref_slice %arg4[%add3A_73, %dma_start3A_74] : memref<425984x128xf32, #tpu.memory_space<hbm>> -> memref<512x128xf32, #tpu.memory_space<hbm>>
        %dma_start3A_76 = arith.constant 0 : i32
        %dma_start3A_77 = tpu.memref_slice %arg4[%add3A_73, %dma_start3A_76] : memref<425984x128xf32, #tpu.memory_space<hbm>> -> memref<512x128xf32, #tpu.memory_space<hbm>>
        tpu.enqueue_dma source(%arg6 : memref<512x128xf32, #tpu.memory_space<vmem>>) target(%dma_start3A_77 : memref<512x128xf32, #tpu.memory_space<hbm>>) target_semaphore(%run_scoped3A : memref<!tpu.dma_semaphore, #tpu.memory_space<semaphore_mem>>)
        %dma_wait3A_78 = arith.constant 0 : i32
        %dma_wait3A_79 = tpu.memref_slice %arg4[%add3A_73, %dma_wait3A_78] : memref<425984x128xf32, #tpu.memory_space<hbm>> -> memref<512x128xf32, #tpu.memory_space<hbm>>
        %dma_wait3A_80 = arith.constant 0 : i32
        %dma_wait3A_81 = tpu.memref_slice %arg4[%add3A_73, %dma_wait3A_80] : memref<425984x128xf32, #tpu.memory_space<hbm>> -> memref<512x128xf32, #tpu.memory_space<hbm>>
        tpu.wait_dma2 semaphore(%run_scoped3A : memref<!tpu.dma_semaphore, #tpu.memory_space<semaphore_mem>>) src(%arg6 : memref<512x128xf32, #tpu.memory_space<vmem>>) dst(%dma_wait3A_81 : memref<512x128xf32, #tpu.memory_space<hbm>>)
        tpu.yield
      }) : () -> ()
    }
    %scan3A_7 = arith.constant 26 : i32
    return
  }
}

module attributes {stable_mosaic.version = 14 : i64} {
  func.func @body(%arg0: i32, %arg1: memref<512x13xf32, #tpu.memory_space<vmem>>, %arg2: memref<512x26x128xf32, #tpu.memory_space<vmem>>, %arg3: memref<13x512xf32, #tpu.memory_space<vmem>>, %arg4: memref<512xf32, #tpu.memory_space<vmem>>, %arg5: memref<512x256xf32, #tpu.memory_space<vmem>>, %arg6: memref<256xf32, #tpu.memory_space<vmem>>, %arg7: memref<256x128xf32, #tpu.memory_space<vmem>>, %arg8: memref<128xf32, #tpu.memory_space<vmem>>, %arg9: memref<128x1024xf32, #tpu.memory_space<vmem>>, %arg10: memref<729x1024xf32, #tpu.memory_space<vmem>>, %arg11: memref<1024xf32, #tpu.memory_space<vmem>>, %arg12: memref<1024x1024xf32, #tpu.memory_space<vmem>>, %arg13: memref<1024xf32, #tpu.memory_space<vmem>>, %arg14: memref<1024x512xf32, #tpu.memory_space<vmem>>, %arg15: memref<512xf32, #tpu.memory_space<vmem>>, %arg16: memref<512x256xf32, #tpu.memory_space<vmem>>, %arg17: memref<256xf32, #tpu.memory_space<vmem>>, %arg18: memref<256x1xf32, #tpu.memory_space<vmem>>, %arg19: memref<1xf32, #tpu.memory_space<vmem>>, %arg20: memref<512x1xf32, #tpu.memory_space<vmem>>) attributes {dimension_semantics = [#tpu.dimension_semantics<arbitrary>], iteration_bounds = array<i64: 32>, scalar_prefetch = 0 : i64, scratch_operands = 0 : i64, tpu.core_type = #tpu.core_type<tc>, window_params = [{transform_indices = @transform_0, window_bounds = array<i64: 512, 13>}, {transform_indices = @transform_1, window_bounds = array<i64: 512, 26, 128>}, {pipeline_mode = #tpu.pipeline_mode<synchronous>, transform_indices = @transform_2, window_bounds = array<i64: 13, 512>}, {pipeline_mode = #tpu.pipeline_mode<synchronous>, transform_indices = @transform_3, window_bounds = array<i64: 512>}, {pipeline_mode = #tpu.pipeline_mode<synchronous>, transform_indices = @transform_4, window_bounds = array<i64: 512, 256>}, {pipeline_mode = #tpu.pipeline_mode<synchronous>, transform_indices = @transform_5, window_bounds = array<i64: 256>}, {pipeline_mode = #tpu.pipeline_mode<synchronous>, transform_indices = @transform_6, window_bounds = array<i64: 256, 128>}, {pipeline_mode = #tpu.pipeline_mode<synchronous>, transform_indices = @transform_7, window_bounds = array<i64: 128>}, {pipeline_mode = #tpu.pipeline_mode<synchronous>, transform_indices = @transform_8, window_bounds = array<i64: 128, 1024>}, {pipeline_mode = #tpu.pipeline_mode<synchronous>, transform_indices = @transform_9, window_bounds = array<i64: 729, 1024>}, {pipeline_mode = #tpu.pipeline_mode<synchronous>, transform_indices = @transform_10, window_bounds = array<i64: 1024>}, {pipeline_mode = #tpu.pipeline_mode<synchronous>, transform_indices = @transform_11, window_bounds = array<i64: 1024, 1024>}, {pipeline_mode = #tpu.pipeline_mode<synchronous>, transform_indices = @transform_12, window_bounds = array<i64: 1024>}, {pipeline_mode = #tpu.pipeline_mode<synchronous>, transform_indices = @transform_13, window_bounds = array<i64: 1024, 512>}, {pipeline_mode = #tpu.pipeline_mode<synchronous>, transform_indices = @transform_14, window_bounds = array<i64: 512>}, {pipeline_mode = #tpu.pipeline_mode<synchronous>, transform_indices = @transform_15, window_bounds = array<i64: 512, 256>}, {pipeline_mode = #tpu.pipeline_mode<synchronous>, transform_indices = @transform_16, window_bounds = array<i64: 256>}, {pipeline_mode = #tpu.pipeline_mode<synchronous>, transform_indices = @transform_17, window_bounds = array<i64: 256, 1>}, {pipeline_mode = #tpu.pipeline_mode<synchronous>, transform_indices = @transform_18, window_bounds = array<i64: 1>}, {transform_indices = @transform_19, window_bounds = array<i64: 512, 1>}]} {
    %get3A = arith.constant 0 : index
    %get3A_0 = arith.constant 0 : index
    %get3A_1 = vector.load %arg1[%get3A, %get3A_0] : memref<512x13xf32, #tpu.memory_space<vmem>>, vector<512x13xf32>
    %get3A_2 = arith.constant 0 : index
    %get3A_3 = arith.constant 0 : index
    %get3A_4 = vector.load %arg3[%get3A_2, %get3A_3] : memref<13x512xf32, #tpu.memory_space<vmem>>, vector<13x512xf32>
    %dot_general3A = arith.constant dense<0.000000e+00> : vector<512x512xf32>
    %dot_general3A_5 = tpu.matmul %get3A_1, %get3A_4, %dot_general3A {dimension_numbers = #tpu.dot_dimension_numbers<[1], [0], [0], [1], [0, 0, 1, 1], [], []>, transpose_lhs_hint = false} : vector<512x13xf32>, vector<13x512xf32>, vector<512x512xf32> -> vector<512x512xf32>
    %get3A_6 = arith.constant 0 : index
    %get3A_7 = vector.load %arg4[%get3A_6] : memref<512xf32, #tpu.memory_space<vmem>>, vector<512xf32>
    %broadcast_in_dim3A = vector.shape_cast %get3A_7 : vector<512xf32> to vector<1x512xf32>
    %add3A = vector.broadcast %broadcast_in_dim3A : vector<1x512xf32> to vector<512x512xf32>
    %add3A_8 = arith.addf %dot_general3A_5, %add3A : vector<512x512xf32>
    %max3A = arith.constant 0.000000e+00 : f32
    %max3A_9 = vector.broadcast %max3A : f32 to vector<512x512xf32>
    %max3A_10 = arith.maximumf %add3A_8, %max3A_9 : vector<512x512xf32>
    %get3A_11 = arith.constant 0 : index
    %get3A_12 = arith.constant 0 : index
    %get3A_13 = vector.load %arg5[%get3A_11, %get3A_12] : memref<512x256xf32, #tpu.memory_space<vmem>>, vector<512x256xf32>
    %dot_general3A_14 = arith.constant dense<0.000000e+00> : vector<512x256xf32>
    %dot_general3A_15 = tpu.matmul %max3A_10, %get3A_13, %dot_general3A_14 {dimension_numbers = #tpu.dot_dimension_numbers<[1], [0], [0], [1], [0, 0, 1, 1], [], []>, transpose_lhs_hint = false} : vector<512x512xf32>, vector<512x256xf32>, vector<512x256xf32> -> vector<512x256xf32>
    %get3A_16 = arith.constant 0 : index
    %get3A_17 = vector.load %arg6[%get3A_16] : memref<256xf32, #tpu.memory_space<vmem>>, vector<256xf32>
    %broadcast_in_dim3A_18 = vector.shape_cast %get3A_17 : vector<256xf32> to vector<1x256xf32>
    %add3A_19 = vector.broadcast %broadcast_in_dim3A_18 : vector<1x256xf32> to vector<512x256xf32>
    %add3A_20 = arith.addf %dot_general3A_15, %add3A_19 : vector<512x256xf32>
    %max3A_21 = arith.constant 0.000000e+00 : f32
    %max3A_22 = vector.broadcast %max3A_21 : f32 to vector<512x256xf32>
    %max3A_23 = arith.maximumf %add3A_20, %max3A_22 : vector<512x256xf32>
    %get3A_24 = arith.constant 0 : index
    %get3A_25 = arith.constant 0 : index
    %get3A_26 = vector.load %arg7[%get3A_24, %get3A_25] : memref<256x128xf32, #tpu.memory_space<vmem>>, vector<256x128xf32>
    %dot_general3A_27 = arith.constant dense<0.000000e+00> : vector<512x128xf32>
    %dot_general3A_28 = tpu.matmul %max3A_23, %get3A_26, %dot_general3A_27 {dimension_numbers = #tpu.dot_dimension_numbers<[1], [0], [0], [1], [0, 0, 1, 1], [], []>, transpose_lhs_hint = false} : vector<512x256xf32>, vector<256x128xf32>, vector<512x128xf32> -> vector<512x128xf32>
    %get3A_29 = arith.constant 0 : index
    %get3A_30 = vector.load %arg8[%get3A_29] : memref<128xf32, #tpu.memory_space<vmem>>, vector<128xf32>
    %broadcast_in_dim3A_31 = vector.shape_cast %get3A_30 : vector<128xf32> to vector<1x128xf32>
    %add3A_32 = vector.broadcast %broadcast_in_dim3A_31 : vector<1x128xf32> to vector<512x128xf32>
    %add3A_33 = arith.addf %dot_general3A_28, %add3A_32 : vector<512x128xf32>
    %max3A_34 = arith.constant 0.000000e+00 : f32
    %max3A_35 = vector.broadcast %max3A_34 : f32 to vector<512x128xf32>
    %max3A_36 = arith.maximumf %add3A_33, %max3A_35 : vector<512x128xf32>
    %get3A_37 = arith.constant 0 : index
    %get3A_38 = arith.constant 0 : index
    %get3A_39 = arith.constant 0 : index
    %get3A_40 = vector.load %arg2[%get3A_37, %get3A_38, %get3A_39] : memref<512x26x128xf32, #tpu.memory_space<vmem>>, vector<512x26x128xf32>
    %broadcast_in_dim3A_41 = vector.shape_cast %max3A_36 : vector<512x128xf32> to vector<512x1x128xf32>
    %concatenate3A = tpu.concatenate %broadcast_in_dim3A_41, %get3A_40 in 1 : vector<512x1x128xf32>, vector<512x26x128xf32> -> vector<512x27x128xf32>
    %dot_general3A_42 = arith.constant dense<0.000000e+00> : vector<512x27x27xf32>
    %dot_general3A_43 = tpu.matmul %concatenate3A, %concatenate3A, %dot_general3A_42 {dimension_numbers = #tpu.dot_dimension_numbers<[2], [2], [1], [1], [0, 0, 0, 1, 1, 1], [0], [0]>, transpose_lhs_hint = false} : vector<512x27x128xf32>, vector<512x27x128xf32>, vector<512x27x27xf32> -> vector<512x27x27xf32>
    %reshape3A = vector.shape_cast %dot_general3A_43 : vector<512x27x27xf32> to vector<512x729xf32>
    %get3A_44 = arith.constant 0 : index
    %get3A_45 = arith.constant 0 : index
    %get3A_46 = vector.load %arg9[%get3A_44, %get3A_45] : memref<128x1024xf32, #tpu.memory_space<vmem>>, vector<128x1024xf32>
    %dot_general3A_47 = arith.constant dense<0.000000e+00> : vector<512x1024xf32>
    %dot_general3A_48 = tpu.matmul %max3A_36, %get3A_46, %dot_general3A_47 {dimension_numbers = #tpu.dot_dimension_numbers<[1], [0], [0], [1], [0, 0, 1, 1], [], []>, transpose_lhs_hint = false} : vector<512x128xf32>, vector<128x1024xf32>, vector<512x1024xf32> -> vector<512x1024xf32>
    %get3A_49 = arith.constant 0 : index
    %get3A_50 = arith.constant 0 : index
    %get3A_51 = vector.load %arg10[%get3A_49, %get3A_50] : memref<729x1024xf32, #tpu.memory_space<vmem>>, vector<729x1024xf32>
    %dot_general3A_52 = arith.constant dense<0.000000e+00> : vector<512x1024xf32>
    %dot_general3A_53 = tpu.matmul %reshape3A, %get3A_51, %dot_general3A_52 {dimension_numbers = #tpu.dot_dimension_numbers<[1], [0], [0], [1], [0, 0, 1, 1], [], []>, transpose_lhs_hint = false} : vector<512x729xf32>, vector<729x1024xf32>, vector<512x1024xf32> -> vector<512x1024xf32>
    %add3A_54 = arith.addf %dot_general3A_48, %dot_general3A_53 : vector<512x1024xf32>
    %get3A_55 = arith.constant 0 : index
    %get3A_56 = vector.load %arg11[%get3A_55] : memref<1024xf32, #tpu.memory_space<vmem>>, vector<1024xf32>
    %broadcast_in_dim3A_57 = vector.shape_cast %get3A_56 : vector<1024xf32> to vector<1x1024xf32>
    %add3A_58 = vector.broadcast %broadcast_in_dim3A_57 : vector<1x1024xf32> to vector<512x1024xf32>
    %add3A_59 = arith.addf %add3A_54, %add3A_58 : vector<512x1024xf32>
    %max3A_60 = arith.constant 0.000000e+00 : f32
    %max3A_61 = vector.broadcast %max3A_60 : f32 to vector<512x1024xf32>
    %max3A_62 = arith.maximumf %add3A_59, %max3A_61 : vector<512x1024xf32>
    %get3A_63 = arith.constant 0 : index
    %get3A_64 = arith.constant 0 : index
    %get3A_65 = vector.load %arg12[%get3A_63, %get3A_64] : memref<1024x1024xf32, #tpu.memory_space<vmem>>, vector<1024x1024xf32>
    %dot_general3A_66 = arith.constant dense<0.000000e+00> : vector<512x1024xf32>
    %dot_general3A_67 = tpu.matmul %max3A_62, %get3A_65, %dot_general3A_66 {dimension_numbers = #tpu.dot_dimension_numbers<[1], [0], [0], [1], [0, 0, 1, 1], [], []>, transpose_lhs_hint = false} : vector<512x1024xf32>, vector<1024x1024xf32>, vector<512x1024xf32> -> vector<512x1024xf32>
    %get3A_68 = arith.constant 0 : index
    %get3A_69 = vector.load %arg13[%get3A_68] : memref<1024xf32, #tpu.memory_space<vmem>>, vector<1024xf32>
    %broadcast_in_dim3A_70 = vector.shape_cast %get3A_69 : vector<1024xf32> to vector<1x1024xf32>
    %add3A_71 = vector.broadcast %broadcast_in_dim3A_70 : vector<1x1024xf32> to vector<512x1024xf32>
    %add3A_72 = arith.addf %dot_general3A_67, %add3A_71 : vector<512x1024xf32>
    %max3A_73 = arith.constant 0.000000e+00 : f32
    %max3A_74 = vector.broadcast %max3A_73 : f32 to vector<512x1024xf32>
    %max3A_75 = arith.maximumf %add3A_72, %max3A_74 : vector<512x1024xf32>
    %get3A_76 = arith.constant 0 : index
    %get3A_77 = arith.constant 0 : index
    %get3A_78 = vector.load %arg14[%get3A_76, %get3A_77] : memref<1024x512xf32, #tpu.memory_space<vmem>>, vector<1024x512xf32>
    %dot_general3A_79 = arith.constant dense<0.000000e+00> : vector<512x512xf32>
    %dot_general3A_80 = tpu.matmul %max3A_75, %get3A_78, %dot_general3A_79 {dimension_numbers = #tpu.dot_dimension_numbers<[1], [0], [0], [1], [0, 0, 1, 1], [], []>, transpose_lhs_hint = false} : vector<512x1024xf32>, vector<1024x512xf32>, vector<512x512xf32> -> vector<512x512xf32>
    %get3A_81 = arith.constant 0 : index
    %get3A_82 = vector.load %arg15[%get3A_81] : memref<512xf32, #tpu.memory_space<vmem>>, vector<512xf32>
    %broadcast_in_dim3A_83 = vector.shape_cast %get3A_82 : vector<512xf32> to vector<1x512xf32>
    %add3A_84 = vector.broadcast %broadcast_in_dim3A_83 : vector<1x512xf32> to vector<512x512xf32>
    %add3A_85 = arith.addf %dot_general3A_80, %add3A_84 : vector<512x512xf32>
    %max3A_86 = arith.constant 0.000000e+00 : f32
    %max3A_87 = vector.broadcast %max3A_86 : f32 to vector<512x512xf32>
    %max3A_88 = arith.maximumf %add3A_85, %max3A_87 : vector<512x512xf32>
    %get3A_89 = arith.constant 0 : index
    %get3A_90 = arith.constant 0 : index
    %get3A_91 = vector.load %arg16[%get3A_89, %get3A_90] : memref<512x256xf32, #tpu.memory_space<vmem>>, vector<512x256xf32>
    %dot_general3A_92 = arith.constant dense<0.000000e+00> : vector<512x256xf32>
    %dot_general3A_93 = tpu.matmul %max3A_88, %get3A_91, %dot_general3A_92 {dimension_numbers = #tpu.dot_dimension_numbers<[1], [0], [0], [1], [0, 0, 1, 1], [], []>, transpose_lhs_hint = false} : vector<512x512xf32>, vector<512x256xf32>, vector<512x256xf32> -> vector<512x256xf32>
    %get3A_94 = arith.constant 0 : index
    %get3A_95 = vector.load %arg17[%get3A_94] : memref<256xf32, #tpu.memory_space<vmem>>, vector<256xf32>
    %broadcast_in_dim3A_96 = vector.shape_cast %get3A_95 : vector<256xf32> to vector<1x256xf32>
    %add3A_97 = vector.broadcast %broadcast_in_dim3A_96 : vector<1x256xf32> to vector<512x256xf32>
    %add3A_98 = arith.addf %dot_general3A_93, %add3A_97 : vector<512x256xf32>
    %max3A_99 = arith.constant 0.000000e+00 : f32
    %max3A_100 = vector.broadcast %max3A_99 : f32 to vector<512x256xf32>
    %max3A_101 = arith.maximumf %add3A_98, %max3A_100 : vector<512x256xf32>
    %get3A_102 = arith.constant 0 : index
    %get3A_103 = arith.constant 0 : index
    %get3A_104 = vector.load %arg18[%get3A_102, %get3A_103] : memref<256x1xf32, #tpu.memory_space<vmem>>, vector<256x1xf32>
    %dot_general3A_105 = arith.constant dense<0.000000e+00> : vector<512x1xf32>
    %dot_general3A_106 = tpu.matmul %max3A_101, %get3A_104, %dot_general3A_105 {dimension_numbers = #tpu.dot_dimension_numbers<[1], [0], [0], [1], [0, 0, 1, 1], [], []>, transpose_lhs_hint = false} : vector<512x256xf32>, vector<256x1xf32>, vector<512x1xf32> -> vector<512x1xf32>
    %get3A_107 = arith.constant 0 : index
    %get3A_108 = vector.load %arg19[%get3A_107] : memref<1xf32, #tpu.memory_space<vmem>>, vector<1xf32>
    %broadcast_in_dim3A_109 = vector.shape_cast %get3A_108 : vector<1xf32> to vector<1x1xf32>
    %add3A_110 = vector.broadcast %broadcast_in_dim3A_109 : vector<1x1xf32> to vector<512x1xf32>
    %add3A_111 = arith.addf %dot_general3A_106, %add3A_110 : vector<512x1xf32>
    %swap3A = arith.constant 0 : index
    %swap3A_112 = arith.constant 0 : index
    %swap3A_113 = vector.load %arg20[%swap3A, %swap3A_112] : memref<512x1xf32, #tpu.memory_space<vmem>>, vector<512x1xf32>
    tpu.vector_store %arg20[%swap3A, %swap3A_112], %add3A_111 {strides = array<i32>} : memref<512x1xf32, #tpu.memory_space<vmem>>, vector<512x1xf32>,
    return
  }
  func.func @transform_0(%arg0: i32) -> (i32, i32) {
    %c0_i32 = arith.constant 0 : i32
    %c0_i32_0 = arith.constant 0 : i32
    return %arg0, %c0_i32 : i32, i32
  }
  func.func @transform_1(%arg0: i32) -> (i32, i32, i32) {
    %c0_i32 = arith.constant 0 : i32
    %c0_i32_0 = arith.constant 0 : i32
    %c0_i32_1 = arith.constant 0 : i32
    return %arg0, %c0_i32, %c0_i32_0 : i32, i32, i32
  }
  func.func @transform_2(%arg0: i32) -> (i32, i32) {
    %c0_i32 = arith.constant 0 : i32
    %c0_i32_0 = arith.constant 0 : i32
    %c0_i32_1 = arith.constant 0 : i32
    return %c0_i32, %c0_i32_0 : i32, i32
  }
  func.func @transform_3(%arg0: i32) -> i32 {
    %c0_i32 = arith.constant 0 : i32
    %c0_i32_0 = arith.constant 0 : i32
    return %c0_i32 : i32
  }
  func.func @transform_4(%arg0: i32) -> (i32, i32) {
    %c0_i32 = arith.constant 0 : i32
    %c0_i32_0 = arith.constant 0 : i32
    %c0_i32_1 = arith.constant 0 : i32
    return %c0_i32, %c0_i32_0 : i32, i32
  }
  func.func @transform_5(%arg0: i32) -> i32 {
    %c0_i32 = arith.constant 0 : i32
    %c0_i32_0 = arith.constant 0 : i32
    return %c0_i32 : i32
  }
  func.func @transform_6(%arg0: i32) -> (i32, i32) {
    %c0_i32 = arith.constant 0 : i32
    %c0_i32_0 = arith.constant 0 : i32
    %c0_i32_1 = arith.constant 0 : i32
    return %c0_i32, %c0_i32_0 : i32, i32
  }
  func.func @transform_7(%arg0: i32) -> i32 {
    %c0_i32 = arith.constant 0 : i32
    %c0_i32_0 = arith.constant 0 : i32
    return %c0_i32 : i32
  }
  func.func @transform_8(%arg0: i32) -> (i32, i32) {
    %c0_i32 = arith.constant 0 : i32
    %c0_i32_0 = arith.constant 0 : i32
    %c0_i32_1 = arith.constant 0 : i32
    return %c0_i32, %c0_i32_0 : i32, i32
  }
  func.func @transform_9(%arg0: i32) -> (i32, i32) {
    %c0_i32 = arith.constant 0 : i32
    %c0_i32_0 = arith.constant 0 : i32
    %c0_i32_1 = arith.constant 0 : i32
    return %c0_i32, %c0_i32_0 : i32, i32
  }
  func.func @transform_10(%arg0: i32) -> i32 {
    %c0_i32 = arith.constant 0 : i32
    %c0_i32_0 = arith.constant 0 : i32
    return %c0_i32 : i32
  }
  func.func @transform_11(%arg0: i32) -> (i32, i32) {
    %c0_i32 = arith.constant 0 : i32
    %c0_i32_0 = arith.constant 0 : i32
    %c0_i32_1 = arith.constant 0 : i32
    return %c0_i32, %c0_i32_0 : i32, i32
  }
  func.func @transform_12(%arg0: i32) -> i32 {
    %c0_i32 = arith.constant 0 : i32
    %c0_i32_0 = arith.constant 0 : i32
    return %c0_i32 : i32
  }
  func.func @transform_13(%arg0: i32) -> (i32, i32) {
    %c0_i32 = arith.constant 0 : i32
    %c0_i32_0 = arith.constant 0 : i32
    %c0_i32_1 = arith.constant 0 : i32
    return %c0_i32, %c0_i32_0 : i32, i32
  }
  func.func @transform_14(%arg0: i32) -> i32 {
    %c0_i32 = arith.constant 0 : i32
    %c0_i32_0 = arith.constant 0 : i32
    return %c0_i32 : i32
  }
  func.func @transform_15(%arg0: i32) -> (i32, i32) {
    %c0_i32 = arith.constant 0 : i32
    %c0_i32_0 = arith.constant 0 : i32
    %c0_i32_1 = arith.constant 0 : i32
    return %c0_i32, %c0_i32_0 : i32, i32
  }
  func.func @transform_16(%arg0: i32) -> i32 {
    %c0_i32 = arith.constant 0 : i32
    %c0_i32_0 = arith.constant 0 : i32
    return %c0_i32 : i32
  }
  func.func @transform_17(%arg0: i32) -> (i32, i32) {
    %c0_i32 = arith.constant 0 : i32
    %c0_i32_0 = arith.constant 0 : i32
    %c0_i32_1 = arith.constant 0 : i32
    return %c0_i32, %c0_i32_0 : i32, i32
  }
  func.func @transform_18(%arg0: i32) -> i32 {
    %c0_i32 = arith.constant 0 : i32
    %c0_i32_0 = arith.constant 0 : i32
    return %c0_i32 : i32
  }
  func.func @transform_19(%arg0: i32) -> (i32, i32) {
    %c0_i32 = arith.constant 0 : i32
    %c0_i32_0 = arith.constant 0 : i32
    return %arg0, %c0_i32 : i32, i32
  }
}

</mosaic_0001>

<sc_bundles>
// kernel: kernel.4.cloned.1.call-start
scs
__scs_entry_jumppad:
0x0: {  	(pc) =	sbr.rel $0x88, $3  }
0x1: {  	(tag) =	ssettag $0x0;
	lr =	simm.s32 $0x1  }
0x2: {  	[smem:$0x3F8F] =	sst lr;
	_ =	strace $0xD0000000  }
0x3: {  	_ = 	snop  }
0x4: {  	_ = 	snop  }
0x5: {  	_ = 	snop  }
0x6: {  	_ = 	snop  }
0x7: {  	_ = 	snop  }
__scs_overlays_trampoline_lowered:
0x8: {  	[smem:$0x3F9E] =	sst s0  }
0x9: {  	[smem:$0x3F9F] =	sst s1  }
0xa: {  	[smem:$0x3FA0] =	sst s2  }
0xb: {  	[smem:$0x3FA1] =	sst s3  }
0xc: {  	[smem:$0x3FA2] =	sst s4  }
0xd: {  	[smem:$0x3FA3] =	sst s5  }
0xe: {  	[smem:$0x3FA4] =	sst s6  }
0xf: {  	[smem:$0x3FA5] =	sst s7  }
0x10: {  	[smem:$0x3FA6] =	sst s8  }
0x11: {  	[smem:$0x3FA7] =	sst s9;
	s0 =	simm.s32 @!p0 $0x0  }
0x12: {  	s1 =	sld [smem:$0x3F8D];
	s0 =	simm.s32 @p0 $0x1  }
0x13: {  	[smem:$0x3FA8] =	sst s0;
	s0 =	simm.s32 @!p1 $0x0  }
0x14: {  	s2 =	sld [smem:$0x3F8C];
	s0 =	simm.s32 @p1 $0x1  }
0x15: {  	[smem:$0x3FA9] =	sst s0;
	s0 =	simm.s32 @!p2 $0x0  }
0x16: {  	s3 =	sld [smem:$0x3FDB];
	s0 =	simm.s32 @p2 $0x1  }
0x17: {  	s4 =	simm.s32 $0x1BF5;
	[smem:$0x3FAB] =	sst s0  }
0x18: {  	s0 =	sld [smem:$0x3F8E];
	_ =	swait.ge [sflag:s4], $0x0  }
0x19: {  	s7 =	sld [smem:$0x3F8F]  }
0x1a: {  	s8 =	sadd.s32 $0xFFFFE003, lr  }
0x1b: {  	s9 =	sadd.s32 $0xFFFFFEF7, lr;
	s5 =	simm.s32 $0xFFFFFFFF;
	p2 =	slt.u32 s8, $0xFFFFF086  }
0x1c: {  	p1 =	slt.u32 s9, $0xF7A;
	s5 =	simm.s32 @!p2 $0x0  }
0x1d: {  	s5 =	simm.s32 @p1 $0x1;
	p0 =	seq.s32 s7, s2  }
0x1e: {  	s7 =	smul.u32 @!p0 $0xF7A, s2;
	p2 =	seq.s32 @!p0 s5, $0x0  }
0x1f: {  	s9 =	smul.u32 $0xF7A, s1;
	s8 =	simm.s32 @!p0 $0x1BF5;
	p2 =	por !p2, p0  }
0x20: {  	[sflag:s8] =	ssyncset.s32 @!p0 $0xFFFFF086;
	s6 =	sadd.s32 @!p0 s3, s7;
	s7 =	simm.s32 @!p0 $0x108  }
0x21: {  	s3 =	sadd.s32 s3, s9;
	s6 =	sadd.s32 @!p0 $0x88, s6;
	s7 =	simm.s32 @p2 $0x1082  }
0x22: {  	[simem:s7], [sflag:s8] =	dma.local @!p0 [hbm:s6], $0xF7A  }
0x23: {  	s9 =	sor.u32 $0xD0000000, s2;
	s6 =	simm.s32 $0x108;
	_ =	swait.ge @!p0 [sflag:s8], $0x0  }
0x24: {  	s3 =	sadd.s32 $0x88, s3;
	s6 =	simm.s32 @!p1 $0x1082;
	[sflag:s4] =	ssyncset.s32 $0xFFFFF086  }
0x25: {  	[simem:s6], [sflag:s4] =	dma.local [hbm:s3], $0xF7A  }
0x26: {  	[smem:$0x3F8F] =	sst s1;
	(tag) =	ssettag s2;
	_ =	strace s9  }
0x27: {  	s1 =	sld [smem:$0x3F9F]  }
0x28: {  	s2 =	sld [smem:$0x3FA0]  }
0x29: {  	s4 =	sld [smem:$0x3FA2]  }
0x2a: {  	p0 =	seq.s32 s5, $0x0;
	s5 =	sld [smem:$0x3FA3]  }
0x2b: {  	s6 =	sld [smem:$0x3FA4]  }
0x2c: {  	s7 =	sld [smem:$0x3FA5]  }
0x2d: {  	s3 =	simm.s32 $0x108;
	s8 =	sld [smem:$0x3FA6]  }
0x2e: {  	s3 =	simm.s32 @!p0 $0x1082;
	s9 =	sld [smem:$0x3FA7]  }
0x2f: {  	lr =	sadd.s32 s0, s3;
	s0 =	sld [smem:$0x3F9E]  }
0x30: {  	s3 =	sld [smem:$0x3FA1]  }
0x31: {  	[smem:$0x3FAA] =	sst s10  }
0x32: {  	s10 =	sld [smem:$0x3FA8];
	_ =	sdelay $0x3  }
0x33: {  	p0 =	seq.s32 s10, $0x1;
	s10 =	sld [smem:$0x3FAA];
	_ =	sdelay $0x3  }
0x34: {  	[smem:$0x3FAA] =	sst s10  }
0x35: {  	s10 =	sld [smem:$0x3FA9];
	_ =	sdelay $0x3  }
0x36: {  	p1 =	seq.s32 s10, $0x1;
	s10 =	sld [smem:$0x3FAA];
	_ =	sdelay $0x3  }
0x37: {  	[smem:$0x3FAA] =	sst s10  }
0x38: {  	s10 =	sld [smem:$0x3FAB]  }
0x39: {  	_ = 	snop;
	(pc) =	sbr.ind lr, $3  }
0x3a: {  	_ = 	snop  }
0x3b: {  	_ = 	snop  }
0x3c: {  	p2 =	seq.s32 s10, $0x1;
	s10 =	sld [smem:$0x3FAA]  }
0x3d: {  	_ =	shalt  }
0x3e: {  	_ =	shalt  }
0x3f: {  	_ =	shalt  }
0x40: {  	_ =	shalt  }
0x41: {  	_ =	shalt  }
0x42: {  	_ =	shalt  }
0x43: {  	_ =	shalt  }
0x44: {  	_ =	shalt  }
0x45: {  	_ =	shalt  }
0x46: {  	_ =	shalt  }
0x47: {  	_ =	shalt  }
0x48: {  	_ =	shalt  }
0x49: {  	_ =	shalt  }
0x4a: {  	_ =	shalt  }
0x4b: {  	_ =	shalt  }
0x4c: {  	_ =	shalt  }
0x4d: {  	_ =	shalt  }
0x4e: {  	_ =	shalt  }
0x4f: {  	_ =	shalt  }
0x50: {  	_ =	shalt  }
0x51: {  	_ =	shalt  }
0x52: {  	_ =	shalt  }
0x53: {  	_ =	shalt  }
0x54: {  	_ =	shalt  }
0x55: {  	_ =	shalt  }
0x56: {  	_ =	shalt  }
0x57: {  	_ =	shalt  }
0x58: {  	_ =	shalt  }
0x59: {  	_ =	shalt  }
0x5a: {  	_ =	shalt  }
0x5b: {  	_ =	shalt  }
0x5c: {  	_ =	shalt  }
0x5d: {  	_ =	shalt  }
0x5e: {  	_ =	shalt  }
0x5f: {  	_ =	shalt  }
0x60: {  	_ =	shalt  }
0x61: {  	_ =	shalt  }
0x62: {  	_ =	shalt  }
0x63: {  	_ =	shalt  }
0x64: {  	_ =	shalt  }
0x65: {  	_ =	shalt  }
0x66: {  	_ =	shalt  }
0x67: {  	_ =	shalt  }
0x68: {  	_ =	shalt  }
0x69: {  	_ =	shalt  }
0x6a: {  	_ =	shalt  }
0x6b: {  	_ =	shalt  }
0x6c: {  	_ =	shalt  }
0x6d: {  	_ =	shalt  }
0x6e: {  	_ =	shalt  }
0x6f: {  	_ =	shalt  }
0x70: {  	_ =	shalt  }
0x71: {  	_ =	shalt  }
0x72: {  	_ =	shalt  }
0x73: {  	_ =	shalt  }
0x74: {  	_ =	shalt  }
0x75: {  	_ =	shalt  }
0x76: {  	_ =	shalt  }
0x77: {  	_ =	shalt  }
0x78: {  	_ =	shalt  }
0x79: {  	_ =	shalt  }
0x7a: {  	_ =	shalt  }
0x7b: {  	_ =	shalt  }
0x7c: {  	_ =	shalt  }
0x7d: {  	_ =	shalt  }
0x7e: {  	_ =	shalt  }
0x7f: {  	_ =	shalt  }
0x80: {  	_ =	shalt  }
0x81: {  	_ =	shalt  }
0x82: {  	_ =	shalt  }
0x83: {  	_ =	shalt  }
0x84: {  	_ =	shalt  }
0x85: {  	_ =	shalt  }
0x86: {  	_ =	shalt  }
0x87: {  	_ =	shalt  }
.Lfunc_end0:
.L_simem_size_0:
called_computation_lowered:
.L_overlay_start_0:
0x88: {  	s2 =	sld [smem:$0x3FD9]  }
0x89: {  	s3 =	sld [smem:$0x3FFE];
	_ =	sdelay $0x1  }
0x8a: {  	s1 =	srdreg.scid  }
0x8b: {  	s0 =	sand.u32 $0x1, s1  }
0x8c: {  	s17 =	sshll.u32 s0, $0xA;
	s2 =	sadd.s32 s3, s2  }
0x8d: {  	s2 =	sadd.s32 s2, s17  }
0x8e: {  	[smem:$0x3FB6] =	sst s2  }
0x8f: {  	_ = 	snop  }
0x90: {  	s2 =	sld [smem:$0x3FC8];
	(tm) =	ssettm $0x1  }
0x91: {  	s18 =	sld [smem:$0x3FFB];
	_ =	sdelay $0x3  }
0x92: {  	_ =	strace s18  }
0x93: {  	s3 =	sld [smem:$0x3FFC];
	_ =	sdelay $0x3  }
0x94: {  	_ =	strace s3  }
0x95: {  	s3 =	sld [smem:$0x3FFD];
	_ =	sdelay $0x3  }
0x96: {  	_ =	strace s3  }
0x97: {  	_ =	strace $0x8FFFFFFF  }
0x98: {  	s19 =	sld [smem:$0x3FDB];
	_ =	sdelay $0x1  }
0x99: {  	s4 =	simm.s32 $_scs_section_size  }
0x9a: {  	s5 =	simm.s32 $_size__tile_overlayer_lowered;
	s6 =	simm.s32 $_tile_overlayer_lowered  }
0x9b: {  	s22 =	simm.s32 $0x1BFF;
	s21 =	sshll.u32 s6, $0x1;
	s3 =	sadd.s32 s4, s19  }
0x9c: {  	s7 =	simm.s32 $0x0;
	s20 =	sshll.u32 s5, $0x1;
	s5 =	sadd.s32 s21, s3  }
0x9d: {  	[timem:s7], [sflag:s22] =	dma.local [hbm:s5], s20  }
0x9e: {  	_ =	swait.ge [sflag:s22], s20  }
0x9f: {  	s4 =	ssub.s32 $0x0, s20;
	[sflag:s22] =	ssyncset.done $0x0  }
0xa0: {  	[sflag:s22] =	ssyncadd.s32 s4;
	_ =	sdelay $0x1  }
0xa1: {  	s23 =	simm.s32 $0x1B8B  }
0xa2: {  	_ =	swait.ge [sflag:s23], $0x1  }
0xa3: {  	[sflag:s23] =	ssyncset.done $0x0  }
0xa4: {  	s25 =	simm.s32 $0x1B8E;
	s24 =	sld [smem:$0x3FFE];
	[sflag:s23] =	ssyncadd.s32 $0xFFFFFFFF  }
0xa5: {  	s26 =	simm.s32 $execute0_lowered;
	[smem:$0x3FD2] =	sst s25  }
0xa6: {  	s5 =	sshll.u32 s26, $0x1;
	_ =	strace $0x80000046;
	[dreg:$0x1] =	wrdreg $0xFFFFFFFF  }
0xa7: {  	s28 =	simm.s32 $_size_execute0_lowered;
	s3 =	sadd.s32 s3, s5;
	[dreg:$0x0] =	wrdreg $0x0  }
0xa8: {  	s5 =	sshll.u32 s28, $0x1;
	[dreg:$0x2] =	wrdreg s3  }
0xa9: {  	[dreg:$0x3] =	wrdreg s5  }
0xaa: {  	[dreg:$0x4] =	wrdreg $0xC0  }
0xab: {  	_ =	task [dreg:s7], $0x5FFFF  }
0xac: {  	[dreg:$0x1] =	wrdreg $0xFFFFFFFF  }
0xad: {  	[dreg:$0x0] =	wrdreg $0x60  }
0xae: {  	[dreg:$0x2] =	wrdreg s2  }
0xaf: {  	[dreg:$0x3] =	wrdreg s24  }
0xb0: {  	[dreg:$0x4] =	wrdreg $0x9  }
0xb1: {  	_ =	task.clear_ibuf [dreg:s7], $0x5FFFF;
	_ =	strace $0x90000046  }
0xb2: {  	s29 =	simm.s32 $0x9;
	_ =	strace $0x80000048  }
0xb3: {  	_ =	swait.ge [sflag:s29], $0x1  }
0xb4: {  	[sflag:s29] =	ssyncadd.s32 $0xFFFFFFFF  }
0xb5: {  	_ =	strace $0x90000048  }
0xb6: {  	_ =	sfence  }
0xb7: {  	s30 =	sld [smem:$0x0];
	_ =	sdelay $0x2  }
0xb8: {  	s31 =	sshll.u32 s1, $0xD;
	s1 =	sshrl.u32 s1, $0x2  }
0xb9: {  	s3 =	sand.u32 $0x4000, s31;
	s1 =	sadd.s32 s1, s30  }
0xba: {  	s0 =	sor.u32 s3, s0;
	s1 =	sshll.u32 s1, $0x11  }
0xbb: {  	s0 =	sor.u32 s1, s0  }
0xbc: {  	s0 =	sadd.s32 $0x8F2B, s0  }
0xbd: {  	[sflag:s0] =	ssyncadd.remote.s32 $0x1  }
0xbe: {  	_ =	sfence.sel $0xFFFF  }
0xbf: {  	[dreg:$0x0] =	wrdreg $0xFFFFFFFF;
	(pc) =	sbr.abs _section_cstart, $3  }
0xc0: {  	[dreg:$0x1] =	wrdreg $0xFFFFFFFF  }
0xc1: {  	_ =	task.clear_ibuf [dreg:s7], $0x2FFFF;
	_ =	strace $0x9FFFFFFF  }
0xc2: {  	(tm) =	ssettm $0x7FFFFFFF  }
0xc3: {  	_ =	shalt  }
tec
execute0_lowered:
.L_overlay_start_1:
0x0: {  	(tag) =	ssettag $0x1  }
0x1: {  	s2 =	rddreg [dreg:$0x0];
	s1 =	srdreg.scid  }
0x2: {  	s0 =	stileid.u32;
	s4 =	rddreg [dreg:$0x1];
	s3 =	simm.s32 $0x0  }
0x3: {  	s11 =	simm.s32 $0xB400;
	s12 =	simm.s32 $0xF400;
	s13 =	simm.s32 $0x1  }
0x4: {  	s14 =	simm.s32 $0x0;
	s5 =	sand.u32 $0x1, s1;
	s1 =	rddreg [dreg:$0x2]  }
0x5: {  	s6 =	sshll.u32 s0, $0x1;
	[smem:$0x7FF] =	sst s3;
	s7 =	smul.u32 $0x68000, s0  }
0x6: {  	s6 =	sor.u32 s5, s6;
	s8 =	ssub.s32 $0x2, s5;
	s10 =	smul.u32 $0x34000, s5  }
0x7: {  	_ =	strace $0x80000047;
	s6 =	smul.u32 $0x3400, s6;
	s9 =	sshrl.u32 s8, $0x1  }
0x8: {  	s30 =	sadd.s32 s7, s4;
	s7 =	simm.s32 $0x2;
	s31 =	ssub.s32 s8, s9  }
0x9: {  	s8 =	simm.s32 $0x80;
	s9 =	simm.s32 $0x3400;
	s6 =	sshrl.u32 s6, $0x3  }
0xa: {  	s5 =	smax.u32 s31, $0x1;
	s29 =	sadd.s32 s6, s4;
	s6 =	sadd.s32 s10, s30  }
0xb: {  	s10 =	simm.s32 $0x7400;
	s4 =	sadd.s32 $0x2400, s29;
	s6 =	sadd.s32 $0xF400, s6  }
.LBB2_1:
0xc: {  	[tilespmem:s3], [sflag:$0x2] =	stream.linear.gather [hbm4b:s4+s3], $0x3400, $0x38;
	[tilespmem:$0x13400] =	vst v63  }
0xd: {  	_ =	swait.ge [sflag:s7], $0x3400  }
0xe: {  	[sflag:s7] =	ssyncset.done $0x0  }
0xf: {  	s15 =	simm.s32 $0x0;
	[sflag:s7] =	ssyncadd.s32 $0xFFFFCC00  }
0x10: {  	[tilespmem:s9], [sflag:$0x1] =	stream.indirect.gather [hbm4b:s2+s8], $0x80, s15, s8, $0xb8;
	[tilespmem:$0x13400] =	vst v63  }
0x11: {  	s28 =	simm.s32 $0x80  }
0x12: {  	[tilespmem:s10], [sflag:$0x1] =	stream.indirect.gather [hbm4b:s2+s8], $0x80, s28, s8, $0xb8;
	[tilespmem:$0x13400] =	vst v63  }
0x13: {  	s29 =	simm.s32 $0x100  }
0x14: {  	[tilespmem:s11], [sflag:$0x1] =	stream.indirect.gather [hbm4b:s2+s8], $0x80, s29, s8, $0xb8;
	[tilespmem:$0x13400] =	vst v63  }
0x15: {  	s30 =	simm.s32 $0x180  }
0x16: {  	[tilespmem:s12], [sflag:$0x1] =	stream.indirect.gather [hbm4b:s2+s8], $0x80, s30, s8, $0xb8;
	[tilespmem:$0x13400] =	vst v63  }
0x17: {  	_ =	swait.ge [sflag:s13], $0x4000  }
0x18: {  	[sflag:s13] =	ssyncset.done $0x0  }
0x19: {  	[sflag:s13] =	ssyncadd.s32 $0xFFFFC000  }
0x1a: {  	_ =	swait.ge [sflag:s13], $0x4000  }
0x1b: {  	[sflag:s13] =	ssyncset.done $0x0  }
0x1c: {  	[sflag:s13] =	ssyncadd.s32 $0xFFFFC000  }
0x1d: {  	_ =	swait.ge [sflag:s13], $0x4000  }
0x1e: {  	[sflag:s13] =	ssyncset.done $0x0  }
0x1f: {  	[sflag:s13] =	ssyncadd.s32 $0xFFFFC000  }
0x20: {  	_ =	swait.ge [sflag:s13], $0x4000  }
0x21: {  	[sflag:s13] =	ssyncset.done $0x0  }
0x22: {  	s31 =	sadd.s32 $0x0, s6;
	[sflag:s13] =	ssyncadd.s32 $0xFFFFC000  }
0x23: {  	[hbm4b:s31+s3] =	stream.linear.scatter [tilespmem:s9], [sflag:$0x2], $0x10000, $0x38;
	[tilespmem:$0x13400] =	vst v63  }
0x24: {  	s17 =	simm.s32 $0x4000;
	_ =	swait.ge [sflag:s7], $0x10000  }
0x25: {  	s16 =	simm.s32 $0x380;
	s15 =	simm.s32 $0x2000;
	[sflag:s7] =	ssyncset.done $0x0  }
.LBB2_2:
0x26: {  	p0 =	sne.s32 s17, $0x32000;
	s18 =	sadd.s32 $0xFFFFFE80, s16;
	[sflag:s7] =	ssyncadd.s32 $0xFFFF0000  }
0x27: {  	[tilespmem:s9], [sflag:$0x1] =	stream.indirect.gather [hbm4b:s2+s8], $0x80, s18, s8, $0xb8;
	[tilespmem:$0x13400] =	vst v63  }
0x28: {  	s19 =	smov.u32 s17;
	s17 =	sadd.s32 $0x2000, s17;
	s18 =	sadd.s32 $0xFFFFFF00, s16  }
0x29: {  	[tilespmem:s10], [sflag:$0x1] =	stream.indirect.gather [hbm4b:s2+s8], $0x80, s18, s8, $0xb8;
	[tilespmem:$0x13400] =	vst v63  }
0x2a: {  	s18 =	sadd.s32 $0xFFFFFF80, s16  }
0x2b: {  	[tilespmem:s11], [sflag:$0x1] =	stream.indirect.gather [hbm4b:s2+s8], $0x80, s18, s8, $0xb8;
	[tilespmem:$0x13400] =	vst v63  }
0x2c: {  	_ = 	snop  }
0x2d: {  	[tilespmem:s12], [sflag:$0x1] =	stream.indirect.gather [hbm4b:s2+s8], $0x80, s16, s8, $0xb8;
	[tilespmem:$0x13400] =	vst v63  }
0x2e: {  	_ =	swait.ge [sflag:s13], $0x4000  }
0x2f: {  	[sflag:s13] =	ssyncset.done $0x0  }
0x30: {  	[sflag:s13] =	ssyncadd.s32 $0xFFFFC000  }
0x31: {  	_ =	swait.ge [sflag:s13], $0x4000  }
0x32: {  	[sflag:s13] =	ssyncset.done $0x0  }
0x33: {  	[sflag:s13] =	ssyncadd.s32 $0xFFFFC000  }
0x34: {  	_ =	swait.ge [sflag:s13], $0x4000  }
0x35: {  	[sflag:s13] =	ssyncset.done $0x0  }
0x36: {  	[sflag:s13] =	ssyncadd.s32 $0xFFFFC000  }
0x37: {  	_ =	swait.ge [sflag:s13], $0x4000  }
.Ltmp0:
0x38: {  	[sflag:s13] =	ssyncset.done $0x0;
	(pc) =	sbr.rel @p0 .LBB2_2-.Ltmp0, $4  }
0x39: {  	s18 =	sadd.s32 s15, s6;
	s15 =	smov.u32 s19;
	[sflag:s13] =	ssyncadd.s32 $0xFFFFC000  }
0x3a: {  	[hbm4b:s18+s3] =	stream.linear.scatter [tilespmem:s9], [sflag:$0x2], $0x10000, $0x38;
	[tilespmem:$0x13400] =	vst v63  }
0x3b: {  	_ =	swait.ge [sflag:s7], $0x10000  }
0x3c: {  	s16 =	sadd.s32 $0x200, s16;
	[sflag:s7] =	ssyncset.done $0x0  }
0x3d: {  	s17 =	sadd.s32 $0xFFFFFE80, s16;
	[sflag:s7] =	ssyncadd.s32 $0xFFFF0000  }
0x3e: {  	[tilespmem:s9], [sflag:$0x1] =	stream.indirect.gather [hbm4b:s2+s8], $0x80, s17, s8, $0xb8;
	[tilespmem:$0x13400] =	vst v63  }
0x3f: {  	s30 =	sadd.s32 $0xFFFFFF00, s16  }
0x40: {  	[tilespmem:s10], [sflag:$0x1] =	stream.indirect.gather [hbm4b:s2+s8], $0x80, s30, s8, $0xb8;
	[tilespmem:$0x13400] =	vst v63  }
0x41: {  	s31 =	sadd.s32 $0xFFFFFF80, s16  }
0x42: {  	[tilespmem:s11], [sflag:$0x1] =	stream.indirect.gather [hbm4b:s2+s8], $0x80, s31, s8, $0xb8;
	[tilespmem:$0x13400] =	vst v63  }
0x43: {  	_ = 	snop  }
0x44: {  	[tilespmem:s12], [sflag:$0x1] =	stream.indirect.gather [hbm4b:s2+s8], $0x80, s16, s8, $0xb8;
	[tilespmem:$0x13400] =	vst v63  }
0x45: {  	_ =	swait.ge [sflag:s13], $0x4000  }
0x46: {  	[sflag:s13] =	ssyncset.done $0x0  }
0x47: {  	[sflag:s13] =	ssyncadd.s32 $0xFFFFC000  }
0x48: {  	_ =	swait.ge [sflag:s13], $0x4000  }
0x49: {  	[sflag:s13] =	ssyncset.done $0x0  }
0x4a: {  	[sflag:s13] =	ssyncadd.s32 $0xFFFFC000  }
0x4b: {  	_ =	swait.ge [sflag:s13], $0x4000  }
0x4c: {  	[sflag:s13] =	ssyncset.done $0x0  }
0x4d: {  	[sflag:s13] =	ssyncadd.s32 $0xFFFFC000  }
0x4e: {  	s14 =	sadd.s32 $0x1, s14;
	_ =	swait.ge [sflag:s13], $0x4000  }
0x4f: {  	p0 =	sne.s32 s14, s5;
	[sflag:s13] =	ssyncset.done $0x0  }
.Ltmp1:
0x50: {  	s15 =	sadd.s32 s15, s6;
	[sflag:s13] =	ssyncadd.s32 $0xFFFFC000;
	(pc) =	sbr.rel @p0 .LBB2_1-.Ltmp1, $4  }
0x51: {  	[hbm4b:s15+s3] =	stream.linear.scatter [tilespmem:s9], [sflag:$0x2], $0x10000, $0x38;
	[tilespmem:$0x13400] =	vst v63  }
0x52: {  	_ =	swait.ge [sflag:s7], $0x10000  }
0x53: {  	[sflag:s7] =	ssyncset.done $0x0  }
0x54: {  	[sflag:s7] =	ssyncadd.s32 $0xFFFF0000  }
0x55: {  	_ =	sfence.sel $0x180000  }
0x56: {  	[bflag:$0x0] =	sbarrier.arrive $0xFFFF  }
0x57: {  	p0 =	sne.s32 s0, $0x0;
	_ =	strace $0x90000047  }
0x58: {  	s0 =	sadd.s32 @!p0 $0x100000, s1;
	[bflag:$0x2] =	sbarrier.arrive $0xFFFF  }
0x59: {  	[sflag:s0] =	ssyncadd.tile.s32 @!p0 $0x1;
	_ =	shalt  }
.Lfunc_end2:
_tile_overlayer_lowered:
.L_overlay_start_2:
0x5a: {  	(tag) =	ssettag $0x2  }
0x5b: {  	s0 =	rddreg [dreg:$0x0];
	s2 =	stileid.u32  }
0x5c: {  	s1 =	rddreg [dreg:$0x1];
	p0 =	sne.s32 s2, $0x0  }
0x5d: {  	s3 =	rddreg [dreg:$0x2];
	[bflag:$0x3] =	sbarrier.arrive $0xFFFF;
	s2 =	simm.s32 @!p0 $0x1C02  }
0x5e: {  	[timem:s3], [sflag:s2] =	dma.local @!p0 [hbm:s0], s1  }
0x5f: {  	s0 =	simm.s32 @!p0 $0x2  }
0x60: {  	_ =	swait.ge @!p0 [sflag:s0], s1  }
0x61: {  	s1 =	ssub.s32 @!p0 $0x0, s1;
	[sflag:s0] =	ssyncset.done @!p0 $0x0  }
0x62: {  	[sflag:s0] =	ssyncadd.s32 @!p0 s1  }
0x63: {  	[bflag:$0x3] =	sbarrier.arrive $0xFFFF  }
0x64: {  	_ =	shalt  }

</sc_bundles>
